<compile_context>
chip_gen: v7x
topology: tpu7x:2x2x1
jax: 0.10.2.dev20260603
libtpu: 0.0.44.dev20260713+nightly
codegen_flags: <defaults>
</compile_context>

<pallas_src>
import functools

import jax
import jax.numpy as jnp
from jax import lax
from jax.experimental import pallas as pl
from jax.experimental.pallas import tpu as pltpu
from jax.experimental.pallas import tpu_sc as plsc

_NC = 2
_NS = 16
_NW = _NC * _NS
_LANES = 16

N = 10000
E = 320000
HIDDEN = 128
EMB1 = 128
EMB2 = 64
L1 = 64
G = 64


def _tc1_body(e_raw_ref, w1root_ref, b1_ref, epair_ref, eroot_ref):
    e_raw = e_raw_ref[0:N, :]
    nrm2 = jnp.sum(e_raw * e_raw, axis=1, keepdims=True)
    scale = jnp.where(nrm2 > 1.0, lax.rsqrt(nrm2), 1.0)
    e = e_raw * scale
    epair_ref[0] = e[:, 0:_HC]
    epair_ref[1] = e[:, _HC:2 * _HC]
    eroot_ref[:] = (
        jax.lax.dot_general(e, w1root_ref[:], (((1,), (1,)), ((), ())),
                            preferred_element_type=jnp.float32)
        + b1_ref[:][None, :]
    )


def _tc1(e_raw_pad, W1_root, b1_rel):
    return pl.pallas_call(
        _tc1_body,
        out_shape=(
            jax.ShapeDtypeStruct((2, N, _HC), jnp.float32),
            jax.ShapeDtypeStruct((N, EMB1), jnp.float32),
        ),
    )(e_raw_pad, W1_root, b1_rel)


def _mm_halves(aggp_ref, w):
    def mm(a, wslice):
        return jax.lax.dot_general(a, wslice, (((1,), (1,)), ((), ())),
                                   preferred_element_type=jnp.float32)
    return (mm(aggp_ref[0:N, :], w[:, 0:_HC])
            + mm(aggp_ref[_NROW:_NROW + N, :], w[:, _HC:2 * _HC]))


def _tc3_body(aggp_ref, w1rel_ref, eroot_ref, h_ref, hpair_ref):
    h = _mm_halves(aggp_ref, w1rel_ref[:]) + eroot_ref[:]
    h = jnp.maximum(h, 0.0)
    h_ref[:] = h
    hpair_ref[0] = h[:, 0:_HC]
    hpair_ref[1] = h[:, _HC:2 * _HC]


def _tc3(agg1p, W1_rel, eroot):
    return pl.pallas_call(
        _tc3_body,
        out_shape=(
            jax.ShapeDtypeStruct((N, EMB1), jnp.float32),
            jax.ShapeDtypeStruct((2, N, _HC), jnp.float32),
        ),
    )(agg1p, W1_rel, eroot)


def _tc5_body(agg2_ref, h_ref, wmu_rel_ref, bmu_ref, wmu_root_ref,
              wstd_rel_ref, bstd_ref, wstd_root_ref, eps_ref, batch_ref,
              wc1_ref, bc1_ref, wc2_ref, bc2_ref, logstd_ref,
              z_ref, zmu_ref, zstd_ref, zn_ref, y_ref, wstd_out_ref):
    h = h_ref[:]

    def mm_t(a, w):
        return jax.lax.dot_general(a, w, (((1,), (1,)), ((), ())),
                                   preferred_element_type=jnp.float32)

    z_mu = jnp.tanh(_mm_halves(agg2_ref, wmu_rel_ref[:]) + bmu_ref[:][None, :]
                    + mm_t(h, wmu_root_ref[:]))
    z_ls = jnp.tanh(_mm_halves(agg2_ref, wstd_rel_ref[:]) + bstd_ref[:][None, :]
                    + mm_t(h, wstd_root_ref[:]))
    z_std = jnp.exp(z_ls)
    z = z_mu + z_std * eps_ref[:]
    zmu_ref[:] = z_mu
    zstd_ref[:] = z_std
    z_ref[:] = z
    zn2 = jnp.sum(z * z, axis=1, keepdims=True)
    rinv = 1.0 / jnp.maximum(jnp.sqrt(zn2), 1e-8)
    zn_ref[:] = z * rinv
    seg = lax.broadcasted_iota(jnp.int32, (G, N), 0)
    mask = (batch_ref[:][None, :] == seg).astype(jnp.float32)
    cnt = jnp.sum(mask, axis=1, keepdims=True)
    pooled = jax.lax.dot_general(mask, z_mu, (((1,), (0,)), ((), ())),
                                 preferred_element_type=jnp.float32)
    pooled = pooled / jnp.maximum(cnt, 1.0)
    y = jnp.maximum(mm_t(pooled, wc1_ref[:]) + bc1_ref[:][None, :], 0.0)
    y = mm_t(y, wc2_ref[:]) + bc2_ref[:][None, :]
    y = y - jnp.max(y, axis=1, keepdims=True)
    ey = jnp.exp(y)
    y_ref[:] = ey / jnp.sum(ey, axis=1, keepdims=True)
    wstd_out_ref[:] = jnp.exp(logstd_ref[:])


def _tc5(agg2, h, Wmu_rel, bmu_rel, Wmu_root, Wstd_rel, bstd_rel, Wstd_root,
         eps, batch, Wc1, bc1, Wc2, bc2, log_std):
    return pl.pallas_call(
        _tc5_body,
        out_shape=(
            jax.ShapeDtypeStruct((N, EMB2), jnp.float32),
            jax.ShapeDtypeStruct((N, EMB2), jnp.float32),
            jax.ShapeDtypeStruct((N, EMB2), jnp.float32),
            jax.ShapeDtypeStruct((N, EMB2), jnp.float32),
            jax.ShapeDtypeStruct((G, 2), jnp.float32),
            jax.ShapeDtypeStruct((1,), jnp.float32),
        ),
    )(agg2, h, Wmu_rel, bmu_rel, Wmu_root, Wstd_rel, bstd_rel, Wstd_root,
      eps, batch, Wc1, bc1, Wc2, bc2, log_std)


def _chunk_sizes(total, cap=128):
    out = []
    while total > 0:
        c = min(cap, total)
        out.append(c)
        total -= c
    return out


@functools.partial(jax.jit, static_argnames=("n_rows", "n_cols"))
def _sc_gather(table, idx, n_rows, n_cols):
    bpw = (-(-n_rows // _NW) + 7) // 8 * 8
    tailw = n_rows - (_NW - 1) * bpw
    assert tailw > 0 and tailw % 8 == 0
    mesh = plsc.VectorSubcoreMesh(core_axis_name="c", subcore_axis_name="s")

    @functools.partial(
        pl.kernel, mesh=mesh,
        out_type=jax.ShapeDtypeStruct((n_rows, n_cols), jnp.float32),
        scratch_types=[
            pltpu.VMEM((bpw,), jnp.int32),
            pltpu.VMEM((bpw, n_cols), jnp.float32),
            pltpu.SemaphoreType.DMA,
        ],
    )
    def k(table_hbm, idx_hbm, out_hbm, idx_v, rows_v, sem):
        wid = lax.axis_index("s") * _NC + lax.axis_index("c")
        base = wid * bpw

        def run(nrows):
            pltpu.sync_copy(idx_hbm.at[pl.ds(base, nrows)],
                            idx_v.at[pl.ds(0, nrows)])
            copies = []
            off = 0
            for cs in _chunk_sizes(nrows):
                copies.append(pltpu.async_copy(
                    table_hbm.at[idx_v.at[pl.ds(off, cs)]],
                    rows_v.at[pl.ds(off, cs)], sem))
                off += cs
            for c in copies:
                c.wait()
            pltpu.sync_copy(rows_v.at[pl.ds(0, nrows)],
                            out_hbm.at[pl.ds(base, nrows)])

        if bpw == tailw:
            run(bpw)
        else:
            @pl.when(wid < _NW - 1)
            def _():
                run(bpw)

            @pl.when(wid == _NW - 1)
            def _():
                run(tailw)

    return k(table, idx)


_C = 128
_NROW = 10240
_RPS = _NROW // _NS
_HC = 64
_EPS = E // _NS
_NF2 = _EPS // _C
_PC2 = _EPS - _NF2 * _C
_EPW = E // _NW
_NFD = _EPW // _C
_PCD = _EPW - _NFD * _C


@jax.jit
def _sc_segsum(table_pair, edge_index, edge_weight):
    mesh = plsc.VectorSubcoreMesh(core_axis_name="c", subcore_axis_name="s")
    cvecs = _HC // _LANES

    @functools.partial(
        pl.kernel, mesh=mesh,
        out_type=jax.ShapeDtypeStruct((2 * _NROW, _HC), jnp.float32),
        compiler_params=pltpu.CompilerParams(needs_layout_passes=False,
                                             use_tc_tiling_on_sc=False),
        scratch_types=[
            pltpu.VMEM((_EPS,), jnp.int32),
            pltpu.VMEM((_EPS,), jnp.int32),
            pltpu.VMEM((_EPS,), jnp.float32),
            pltpu.VMEM((_C, _HC), jnp.float32),
            pltpu.VMEM((_C, _HC), jnp.float32),
            pltpu.VMEM_SHARED((_NROW, _HC), jnp.float32),
            pltpu.SemaphoreType.DMA,
            pltpu.SemaphoreType.DMA,
        ],
    )
    def k(x_hbm, ei_hbm, ew_hbm, out_hbm,
          src_v, dst_v, ew_v, msg0_v, msg1_v, agg_sh, sem0, sem1):
        cid = lax.axis_index("c")
        sid = lax.axis_index("s")
        zv = jnp.zeros((_LANES,), jnp.float32)

        def zrow(i, c2):
            for c in range(_HC // _LANES):
                msg0_v[i, pl.ds(c * _LANES, _LANES)] = zv
            return c2

        lax.fori_loop(0, _C, zrow, 0)
        for b in range(_RPS // _C):
            pltpu.sync_copy(msg0_v,
                            agg_sh.at[pl.ds(sid * _RPS + b * _C, _C)])
        base = sid * _EPS
        pltpu.sync_copy(ei_hbm.at[0, pl.ds(base, _EPS)], src_v)
        pltpu.sync_copy(ei_hbm.at[1, pl.ds(base, _EPS)], dst_v)
        pltpu.sync_copy(ew_hbm.at[pl.ds(base, _EPS)], ew_v)
        plsc.subcore_barrier()
        xh = x_hbm.at[cid]

        def g_start(j, msg_v, sem, n=_C):
            pltpu.async_copy(xh.at[src_v.at[pl.ds(j * _C, n)]],
                             msg_v.at[pl.ds(0, n)], sem)

        def g_wait(j, msg_v, sem, n=_C):
            pltpu.make_async_copy(xh.at[src_v.at[pl.ds(j * _C, n)]],
                                  msg_v.at[pl.ds(0, n)], sem).wait()

        def scale_and_scatter(j, msg_v, n=_C):
            jbase = jnp.full((_LANES,), j * _C, jnp.int32)

            def srow(i4, c2):
                for u in range(4):
                    i = i4 * 4 + u
                    w = plsc.load_gather(ew_v, [jbase + i])
                    for c in range(cvecs):
                        msg_v[i, pl.ds(c * _LANES, _LANES)] = (
                            msg_v[i, pl.ds(c * _LANES, _LANES)] * w)
                return c2

            lax.fori_loop(0, n // 4, srow, 0)
            pltpu.sync_copy(msg_v.at[pl.ds(0, n)],
                            agg_sh.at[dst_v.at[pl.ds(j * _C, n)]], add=True)

        g_start(0, msg0_v, sem0)

        def pair(jj, carry):
            j = jj * 2
            g_start(j + 1, msg1_v, sem1)
            g_wait(j, msg0_v, sem0)
            scale_and_scatter(j, msg0_v)
            g_start(j + 2, msg0_v, sem0)
            g_wait(j + 1, msg1_v, sem1)
            scale_and_scatter(j + 1, msg1_v)
            return carry

        lax.fori_loop(0, _NF2 // 2 - 1, pair, 0)
        jl = _NF2 - 2
        g_start(jl + 1, msg1_v, sem1)
        g_wait(jl, msg0_v, sem0)
        scale_and_scatter(jl, msg0_v)
        g_start(_NF2, msg0_v, sem0, n=_PC2)
        g_wait(jl + 1, msg1_v, sem1)
        scale_and_scatter(jl + 1, msg1_v)
        g_wait(_NF2, msg0_v, sem0, n=_PC2)
        scale_and_scatter(_NF2, msg0_v, n=_PC2)

        plsc.subcore_barrier()
        pltpu.sync_copy(agg_sh.at[pl.ds(sid * _RPS, _RPS)],
                        out_hbm.at[pl.ds(cid * _NROW + sid * _RPS, _RPS)])

    return k(table_pair, edge_index, edge_weight)


@jax.jit
def _sc_edge_dot(zn, edge_index):
    mesh = plsc.VectorSubcoreMesh(core_axis_name="c", subcore_axis_name="s")
    cvecs = EMB2 // _LANES

    @functools.partial(
        pl.kernel, mesh=mesh,
        out_type=jax.ShapeDtypeStruct((E,), jnp.float32),
        compiler_params=pltpu.CompilerParams(needs_layout_passes=False,
                                             use_tc_tiling_on_sc=False),
        scratch_types=[
            pltpu.VMEM((_EPW,), jnp.int32),
            pltpu.VMEM((_EPW,), jnp.int32),
            pltpu.VMEM((_C, EMB2), jnp.float32),
            pltpu.VMEM((_C, EMB2), jnp.float32),
            pltpu.VMEM((_C, EMB2), jnp.float32),
            pltpu.VMEM((_C, EMB2), jnp.float32),
            pltpu.VMEM((_EPW,), jnp.float32),
            pltpu.SemaphoreType.DMA,
            pltpu.SemaphoreType.DMA,
        ],
    )
    def k(zn_hbm, ei_hbm, out_hbm, src_v, dst_v,
          a0_v, b0_v, a1_v, b1_v, o_v, sem0, sem1):
        cid = lax.axis_index("c")
        sid = lax.axis_index("s")
        wid = sid * _NC + cid
        base = wid * _EPW
        pltpu.sync_copy(ei_hbm.at[0, pl.ds(base, _EPW)], src_v)
        pltpu.sync_copy(ei_hbm.at[1, pl.ds(base, _EPW)], dst_v)
        lane = lax.broadcasted_iota(jnp.int32, (_LANES,), 0)
        last = lane == (_LANES - 1)

        def gather_ab(j, a_v, b_v, sem, n=_C):
            pltpu.async_copy(zn_hbm.at[src_v.at[pl.ds(j * _C, n)]],
                             a_v.at[pl.ds(0, n)], sem)
            pltpu.async_copy(zn_hbm.at[dst_v.at[pl.ds(j * _C, n)]],
                             b_v.at[pl.ds(0, n)], sem)

        def wait_ab(j, a_v, b_v, sem, n=_C):
            pltpu.make_async_copy(zn_hbm.at[src_v.at[pl.ds(j * _C, n)]],
                                  a_v.at[pl.ds(0, n)], sem).wait()
            pltpu.make_async_copy(zn_hbm.at[dst_v.at[pl.ds(j * _C, n)]],
                                  b_v.at[pl.ds(0, n)], sem).wait()

        def dots(j, a_v, b_v, n=_C):
            jbase = jnp.full((_LANES,), j * _C, jnp.int32)

            def edge(i8, c2):
                for u in range(8):
                    i = i8 * 8 + u
                    s = (a_v[i, pl.ds(0, _LANES)] * b_v[i, pl.ds(0, _LANES)])
                    for c in range(1, cvecs):
                        s = s + (a_v[i, pl.ds(c * _LANES, _LANES)]
                                 * b_v[i, pl.ds(c * _LANES, _LANES)])
                    cs = plsc.cumsum(s)
                    plsc.store_scatter(o_v, [jbase + i], cs, mask=last)
                return c2

            lax.fori_loop(0, n // 8, edge, 0)

        gather_ab(0, a0_v, b0_v, sem0)

        def pair(jj, carry):
            j = jj * 2
            gather_ab(j + 1, a1_v, b1_v, sem1)
            wait_ab(j, a0_v, b0_v, sem0)
            dots(j, a0_v, b0_v)
            gather_ab(j + 2, a0_v, b0_v, sem0)
            wait_ab(j + 1, a1_v, b1_v, sem1)
            dots(j + 1, a1_v, b1_v)
            return carry

        lax.fori_loop(0, _NFD // 2 - 1, pair, 0)
        jl = _NFD - 2
        gather_ab(jl + 1, a1_v, b1_v, sem1)
        wait_ab(jl, a0_v, b0_v, sem0)
        dots(jl, a0_v, b0_v)
        gather_ab(_NFD, a0_v, b0_v, sem0, n=_PCD)
        wait_ab(jl + 1, a1_v, b1_v, sem1)
        dots(jl + 1, a1_v, b1_v)
        wait_ab(_NFD, a0_v, b0_v, sem0, n=_PCD)
        dots(_NFD, a0_v, b0_v, n=_PCD)
        pltpu.sync_copy(o_v, out_hbm.at[pl.ds(base, _EPW)])

    return k(zn, edge_index)


def kernel(x, edge_index, edge_weight, batch, emb_table, W1_rel, b1_rel,
           W1_root, Wmu_rel, bmu_rel, Wmu_root, Wstd_rel, bstd_rel, Wstd_root,
           Wc1, bc1, Wc2, bc2, log_std, eps):
    e_raw = _sc_gather(emb_table, x, N, HIDDEN)
    e_pair, eroot = _tc1(e_raw, W1_root, b1_rel)

    agg1p = _sc_segsum(e_pair, edge_index, edge_weight)
    h, h_pair = _tc3(agg1p, W1_rel, eroot)

    agg2p = _sc_segsum(h_pair, edge_index, edge_weight)
    z, z_mu, z_std, zn, y, w_std = _tc5(
        agg2p, h, Wmu_rel, bmu_rel, Wmu_root, Wstd_rel, bstd_rel, Wstd_root,
        eps, batch, Wc1, bc1, Wc2, bc2, log_std)

    w_mu = _sc_edge_dot(zn, edge_index)
    return (y, w_mu, w_std, z, z_mu, z_std)

# --- scband reference (transcript-rebuilt; emitter-appended) ---
"""Pipeline reference for scband-vgae-69750268887144 (READ-ONLY COPY).

The authoritative reference and input builder live on the scoring server;
editing this copy changes nothing except your own understanding.
"""

import jax, jax.numpy as jnp
import numpy as np

N = 10000
E = 320000
HIDDEN = 128
EMB1 = 128
EMB2 = 64
L1 = 64
G = 64


def _glorot(key, shape):
    fan_in = shape[-1]
    return jax.random.normal(key, shape, dtype=jnp.float32) / np.sqrt(fan_in)


def setup_inputs(seed: int = 0) -> dict:
    key = jax.random.key(seed)
    ks = jax.random.split(key, 16)
    inp = {}
    inp["x"] = jax.random.randint(ks[0], (N,), 0, N)
    inp["edge_index"] = jax.random.randint(ks[1], (2, E), 0, N)
    inp["edge_weight"] = jax.random.uniform(ks[2], (E,), dtype=jnp.float32)
    inp["batch"] = jnp.sort(jax.random.randint(ks[3], (N,), 0, G))
    inp["emb_table"] = jax.random.normal(ks[4], (N, HIDDEN), dtype=jnp.float32)
    inp["W1_rel"] = _glorot(ks[5], (EMB1, HIDDEN))
    inp["b1_rel"] = jnp.zeros((EMB1,), jnp.float32)
    inp["W1_root"] = _glorot(ks[6], (EMB1, HIDDEN))
    inp["Wmu_rel"] = _glorot(ks[7], (EMB2, EMB1))
    inp["bmu_rel"] = jnp.zeros((EMB2,), jnp.float32)
    inp["Wmu_root"] = _glorot(ks[8], (EMB2, EMB1))
    inp["Wstd_rel"] = _glorot(ks[9], (EMB2, EMB1))
    inp["bstd_rel"] = jnp.zeros((EMB2,), jnp.float32)
    inp["Wstd_root"] = _glorot(ks[10], (EMB2, EMB1))
    inp["Wc1"] = _glorot(ks[11], (L1, EMB2))
    inp["bc1"] = jnp.zeros((L1,), jnp.float32)
    inp["Wc2"] = _glorot(ks[12], (2, L1))
    inp["bc2"] = jnp.zeros((2,), jnp.float32)
    inp["log_std"] = jnp.zeros((1,), jnp.float32)
    inp["eps"] = jax.random.normal(ks[13], (N, EMB2), dtype=jnp.float32)
    return inp


def _graph_conv(x, src, dst, ew, W_rel, b_rel, W_root):
    # PyG GraphConv: out = lin_rel(sum_{j in N(i)} e_ji * x_j) + lin_root(x_i)
    msg = x[src] * ew[:, None]
    agg = jax.ops.segment_sum(msg, dst, num_segments=N)
    return agg @ W_rel.T + b_rel + x @ W_root.T


def reference(x, edge_index, edge_weight, batch, emb_table, W1_rel, b1_rel, W1_root, Wmu_rel, bmu_rel, Wmu_root, Wstd_rel, bstd_rel, Wstd_root, Wc1, bc1, Wc2, bc2, log_std, eps):
    src = edge_index[0]
    dst = edge_index[1]
    # Embedding with max_norm=1 (rows renormalized to norm<=1 on lookup)
    e = emb_table[x]
    nrm = jnp.linalg.norm(e, axis=1, keepdims=True)
    e = e * jnp.where(nrm > 1.0, 1.0 / nrm, 1.0)
    # dropout is identity in eval mode
    h = jax.nn.relu(_graph_conv(e, src, dst, edge_weight, W1_rel, b1_rel, W1_root))
    z_mu = jnp.tanh(_graph_conv(h, src, dst, edge_weight, Wmu_rel, bmu_rel, Wmu_root))
    z_log_std = jnp.tanh(_graph_conv(h, src, dst, edge_weight, Wstd_rel, bstd_rel, Wstd_root))
    z_std = jnp.exp(z_log_std)
    z = z_mu + z_std * eps  # reparameterized rsample with fixed noise
    # decoder: per-edge cosine similarity
    a = z[src]
    b = z[dst]
    na = jnp.maximum(jnp.linalg.norm(a, axis=1), 1e-8)
    nb = jnp.maximum(jnp.linalg.norm(b, axis=1), 1e-8)
    w_mu = jnp.sum(a * b, axis=1) / (na * nb)
    w_std = jnp.exp(log_std)
    # global mean pool over batch segments
    cnt = jax.ops.segment_sum(jnp.ones((N,), jnp.float32), batch, num_segments=G)
    pooled = jax.ops.segment_sum(z_mu, batch, num_segments=G) / jnp.maximum(cnt, 1.0)[:, None]
    y = jax.nn.relu(pooled @ Wc1.T + bc1)
    y = y @ Wc2.T + bc2
    y = jax.nn.softmax(y, axis=1)
    return (y, w_mu, w_std, z, z_mu, z_std)

if __name__ == "__main__":
    import jax
    _d = setup_inputs()
    print(jax.jit(kernel)(*tuple(_d.values())))

</pallas_src>

<mosaic_0001>
#map = affine_map<(d0, d1) -> (0, 0)>
#map1 = affine_map<(d0, d1) -> (0)>
module attributes {stable_mosaic.version = 14 : i64} {
  func.func @k(%arg0: i32, %arg1: i32, %arg2: memref<10000x128xf32, #tpu.memory_space<hbm>>, %arg3: memref<10000xi32, #tpu.memory_space<hbm>>, %arg4: memref<10000x128xf32, #tpu.memory_space<hbm>>, %arg5: memref<320xi32, #tpu.memory_space<vmem>>, %arg6: memref<320x128xf32, #tpu.memory_space<vmem>>, %arg7: memref<!tpu.dma_semaphore, #tpu.memory_space<semaphore_mem>>) attributes {dimension_semantics = [#tpu.dimension_semantics<core_parallel>, #tpu.dimension_semantics<subcore_parallel>], iteration_bounds = array<i64: 2, 16>, scalar_prefetch = 0 : i64, scratch_operands = 3 : i64, tpu.core_type = #tpu.core_type<sc_vector_subcore>, window_params = [{transform_indices = #map}, {transform_indices = #map1}, {transform_indices = #map}]} {
    %mul3A = arith.constant 2 : i32
    %mul3A_0 = arith.muli %arg1, %mul3A : i32
    %add3A = arith.addi %mul3A_0, %arg0 : i32
    %mul3A_1 = arith.constant 320 : i32
    %mul3A_2 = arith.muli %add3A, %mul3A_1 : i32
    %lt3A = arith.constant 31 : i32
    %lt3A_3 = arith.cmpi slt, %add3A, %lt3A : i32
    %convert_element_type3A = arith.extui %lt3A_3 : i1 to i32
    %cond3A = arith.constant 0 : i32
    %cond3A_4 = arith.cmpi ne, %convert_element_type3A, %cond3A : i32
    scf.if %cond3A_4 {
      "tpu.region"() ({
        %run_scoped3A = tpu.sem_alloc : memref<!tpu.dma_semaphore, #tpu.memory_space<semaphore_mem>>
        %dma_start3A_55 = arith.constant 0 : i32
        %dma_start3A_56 = tpu.memref_slice %arg5[%dma_start3A_55] : memref<320xi32, #tpu.memory_space<vmem>> -> memref<320xi32, #tpu.memory_space<vmem>>
        %dma_start3A_57 = tpu.memref_slice %arg3[%mul3A_2] : memref<10000xi32, #tpu.memory_space<hbm>> -> memref<320xi32, #tpu.memory_space<hbm>>
        %dma_start3A_58 = arith.constant 0 : i32
        %dma_start3A_59 = tpu.memref_slice %arg5[%dma_start3A_58] : memref<320xi32, #tpu.memory_space<vmem>> -> memref<320xi32, #tpu.memory_space<vmem>>
        %dma_start3A_60 = tpu.memref_slice %arg3[%mul3A_2] : memref<10000xi32, #tpu.memory_space<hbm>> -> memref<320xi32, #tpu.memory_space<hbm>>
        tpu.enqueue_dma source(%dma_start3A_60 : memref<320xi32, #tpu.memory_space<hbm>>) target(%dma_start3A_59 : memref<320xi32, #tpu.memory_space<vmem>>) target_semaphore(%run_scoped3A : memref<!tpu.dma_semaphore, #tpu.memory_space<semaphore_mem>>)
        %dma_wait3A_61 = arith.constant 0 : i32
        %dma_wait3A_62 = tpu.memref_slice %arg5[%dma_wait3A_61] : memref<320xi32, #tpu.memory_space<vmem>> -> memref<320xi32, #tpu.memory_space<vmem>>
        %dma_wait3A_63 = tpu.memref_slice %arg3[%mul3A_2] : memref<10000xi32, #tpu.memory_space<hbm>> -> memref<320xi32, #tpu.memory_space<hbm>>
        %dma_wait3A_64 = arith.constant 0 : i32
        %dma_wait3A_65 = tpu.memref_slice %arg5[%dma_wait3A_64] : memref<320xi32, #tpu.memory_space<vmem>> -> memref<320xi32, #tpu.memory_space<vmem>>
        %dma_wait3A_66 = tpu.memref_slice %arg3[%mul3A_2] : memref<10000xi32, #tpu.memory_space<hbm>> -> memref<320xi32, #tpu.memory_space<hbm>>
        tpu.wait_dma2 semaphore(%run_scoped3A : memref<!tpu.dma_semaphore, #tpu.memory_space<semaphore_mem>>) src(%dma_wait3A_66 : memref<320xi32, #tpu.memory_space<hbm>>) dst(%dma_wait3A_65 : memref<320xi32, #tpu.memory_space<vmem>>)
        tpu.yield
      }) : () -> ()
      %dma_start3A = arith.constant 0 : i32
      %dma_start3A_9 = arith.constant 0 : i32
      %dma_start3A_10 = tpu.memref_slice %arg6[%dma_start3A, %dma_start3A_9] : memref<320x128xf32, #tpu.memory_space<vmem>> -> memref<128x128xf32, #tpu.memory_space<vmem>>
      %dma_start3A_11 = arith.constant 0 : i32
      %dma_start3A_12 = tpu.memref_slice %arg5[%dma_start3A_11] : memref<320xi32, #tpu.memory_space<vmem>> -> memref<128xi32, #tpu.memory_space<vmem>>
      %dma_start3A_13 = arith.constant 0 : i32
      %dma_start3A_14 = arith.constant 0 : i32
      %dma_start3A_15 = tpu.memref_slice %arg2[%dma_start3A_13, %dma_start3A_14] : memref<10000x128xf32, #tpu.memory_space<hbm>> -> memref<10000x128xf32, #tpu.memory_space<hbm>>
      tpu.enqueue_indirect_dma source(%dma_start3A_15 : memref<10000x128xf32, #tpu.memory_space<hbm>>) target(%dma_start3A_10 : memref<128x128xf32, #tpu.memory_space<vmem>>) offsets(%dma_start3A_12 : memref<128xi32, #tpu.memory_space<vmem>>) semaphore(%arg7 : memref<!tpu.dma_semaphore, #tpu.memory_space<semaphore_mem>>)
      %dma_start3A_16 = arith.constant 128 : i32
      %dma_start3A_17 = arith.constant 0 : i32
      %dma_start3A_18 = tpu.memref_slice %arg6[%dma_start3A_16, %dma_start3A_17] : memref<320x128xf32, #tpu.memory_space<vmem>> -> memref<128x128xf32, #tpu.memory_space<vmem>>
      %dma_start3A_19 = arith.constant 128 : i32
      %dma_start3A_20 = tpu.memref_slice %arg5[%dma_start3A_19] : memref<320xi32, #tpu.memory_space<vmem>> -> memref<128xi32, #tpu.memory_space<vmem>>
      %dma_start3A_21 = arith.constant 0 : i32
      %dma_start3A_22 = arith.constant 0 : i32
      %dma_start3A_23 = tpu.memref_slice %arg2[%dma_start3A_21, %dma_start3A_22] : memref<10000x128xf32, #tpu.memory_space<hbm>> -> memref<10000x128xf32, #tpu.memory_space<hbm>>
      tpu.enqueue_indirect_dma source(%dma_start3A_23 : memref<10000x128xf32, #tpu.memory_space<hbm>>) target(%dma_start3A_18 : memref<128x128xf32, #tpu.memory_space<vmem>>) offsets(%dma_start3A_20 : memref<128xi32, #tpu.memory_space<vmem>>) semaphore(%arg7 : memref<!tpu.dma_semaphore, #tpu.memory_space<semaphore_mem>>)
      %dma_start3A_24 = arith.constant 256 : i32
      %dma_start3A_25 = arith.constant 0 : i32
      %dma_start3A_26 = tpu.memref_slice %arg6[%dma_start3A_24, %dma_start3A_25] : memref<320x128xf32, #tpu.memory_space<vmem>> -> memref<64x128xf32, #tpu.memory_space<vmem>>
      %dma_start3A_27 = arith.constant 256 : i32
      %dma_start3A_28 = tpu.memref_slice %arg5[%dma_start3A_27] : memref<320xi32, #tpu.memory_space<vmem>> -> memref<64xi32, #tpu.memory_space<vmem>>
      %dma_start3A_29 = arith.constant 0 : i32
      %dma_start3A_30 = arith.constant 0 : i32
      %dma_start3A_31 = tpu.memref_slice %arg2[%dma_start3A_29, %dma_start3A_30] : memref<10000x128xf32, #tpu.memory_space<hbm>> -> memref<10000x128xf32, #tpu.memory_space<hbm>>
      tpu.enqueue_indirect_dma source(%dma_start3A_31 : memref<10000x128xf32, #tpu.memory_space<hbm>>) target(%dma_start3A_26 : memref<64x128xf32, #tpu.memory_space<vmem>>) offsets(%dma_start3A_28 : memref<64xi32, #tpu.memory_space<vmem>>) semaphore(%arg7 : memref<!tpu.dma_semaphore, #tpu.memory_space<semaphore_mem>>)
      %dma_wait3A = arith.constant 0 : i32
      %dma_wait3A_32 = arith.constant 0 : i32
      %dma_wait3A_33 = tpu.memref_slice %arg6[%dma_wait3A, %dma_wait3A_32] : memref<320x128xf32, #tpu.memory_space<vmem>> -> memref<128x128xf32, #tpu.memory_space<vmem>>
      %dma_wait3A_34 = arith.constant 0 : i32
      %dma_wait3A_35 = tpu.memref_slice %arg5[%dma_wait3A_34] : memref<320xi32, #tpu.memory_space<vmem>> -> memref<128xi32, #tpu.memory_space<vmem>>
      %dma_wait3A_36 = arith.constant 0 : i32
      %dma_wait3A_37 = arith.constant 0 : i32
      %dma_wait3A_38 = tpu.memref_slice %arg2[%dma_wait3A_36, %dma_wait3A_37] : memref<10000x128xf32, #tpu.memory_space<hbm>> -> memref<10000x128xf32, #tpu.memory_space<hbm>>
      tpu.wait_indirect_dma semaphore(%arg7 : memref<!tpu.dma_semaphore, #tpu.memory_space<semaphore_mem>>) src(%dma_wait3A_38 : memref<10000x128xf32, #tpu.memory_space<hbm>>) dst(%dma_wait3A_33 : memref<128x128xf32, #tpu.memory_space<vmem>>)
      %dma_wait3A_39 = arith.constant 128 : i32
      %dma_wait3A_40 = arith.constant 0 : i32
      %dma_wait3A_41 = tpu.memref_slice %arg6[%dma_wait3A_39, %dma_wait3A_40] : memref<320x128xf32, #tpu.memory_space<vmem>> -> memref<128x128xf32, #tpu.memory_space<vmem>>
      %dma_wait3A_42 = arith.constant 128 : i32
      %dma_wait3A_43 = tpu.memref_slice %arg5[%dma_wait3A_42] : memref<320xi32, #tpu.memory_space<vmem>> -> memref<128xi32, #tpu.memory_space<vmem>>
      %dma_wait3A_44 = arith.constant 0 : i32
      %dma_wait3A_45 = arith.constant 0 : i32
      %dma_wait3A_46 = tpu.memref_slice %arg2[%dma_wait3A_44, %dma_wait3A_45] : memref<10000x128xf32, #tpu.memory_space<hbm>> -> memref<10000x128xf32, #tpu.memory_space<hbm>>
      tpu.wait_indirect_dma semaphore(%arg7 : memref<!tpu.dma_semaphore, #tpu.memory_space<semaphore_mem>>) src(%dma_wait3A_46 : memref<10000x128xf32, #tpu.memory_space<hbm>>) dst(%dma_wait3A_41 : memref<128x128xf32, #tpu.memory_space<vmem>>)
      %dma_wait3A_47 = arith.constant 256 : i32
      %dma_wait3A_48 = arith.constant 0 : i32
      %dma_wait3A_49 = tpu.memref_slice %arg6[%dma_wait3A_47, %dma_wait3A_48] : memref<320x128xf32, #tpu.memory_space<vmem>> -> memref<64x128xf32, #tpu.memory_space<vmem>>
      %dma_wait3A_50 = arith.constant 256 : i32
      %dma_wait3A_51 = tpu.memref_slice %arg5[%dma_wait3A_50] : memref<320xi32, #tpu.memory_space<vmem>> -> memref<64xi32, #tpu.memory_space<vmem>>
      %dma_wait3A_52 = arith.constant 0 : i32
      %dma_wait3A_53 = arith.constant 0 : i32
      %dma_wait3A_54 = tpu.memref_slice %arg2[%dma_wait3A_52, %dma_wait3A_53] : memref<10000x128xf32, #tpu.memory_space<hbm>> -> memref<10000x128xf32, #tpu.memory_space<hbm>>
      tpu.wait_indirect_dma semaphore(%arg7 : memref<!tpu.dma_semaphore, #tpu.memory_space<semaphore_mem>>) src(%dma_wait3A_54 : memref<10000x128xf32, #tpu.memory_space<hbm>>) dst(%dma_wait3A_49 : memref<64x128xf32, #tpu.memory_space<vmem>>)
      "tpu.region"() ({
        %run_scoped3A = tpu.sem_alloc : memref<!tpu.dma_semaphore, #tpu.memory_space<semaphore_mem>>
        %dma_start3A_55 = arith.constant 0 : i32
        %dma_start3A_56 = arith.constant 0 : i32
        %dma_start3A_57 = tpu.memref_slice %arg6[%dma_start3A_55, %dma_start3A_56] : memref<320x128xf32, #tpu.memory_space<vmem>> -> memref<320x128xf32, #tpu.memory_space<vmem>>
        %dma_start3A_58 = arith.constant 0 : i32
        %dma_start3A_59 = tpu.memref_slice %arg4[%mul3A_2, %dma_start3A_58] : memref<10000x128xf32, #tpu.memory_space<hbm>> -> memref<320x128xf32, #tpu.memory_space<hbm>>
        %dma_start3A_60 = arith.constant 0 : i32
        %dma_start3A_61 = tpu.memref_slice %arg4[%mul3A_2, %dma_start3A_60] : memref<10000x128xf32, #tpu.memory_space<hbm>> -> memref<320x128xf32, #tpu.memory_space<hbm>>
        %dma_start3A_62 = arith.constant 0 : i32
        %dma_start3A_63 = arith.constant 0 : i32
        %dma_start3A_64 = tpu.memref_slice %arg6[%dma_start3A_62, %dma_start3A_63] : memref<320x128xf32, #tpu.memory_space<vmem>> -> memref<320x128xf32, #tpu.memory_space<vmem>>
        tpu.enqueue_dma source(%dma_start3A_64 : memref<320x128xf32, #tpu.memory_space<vmem>>) target(%dma_start3A_61 : memref<320x128xf32, #tpu.memory_space<hbm>>) target_semaphore(%run_scoped3A : memref<!tpu.dma_semaphore, #tpu.memory_space<semaphore_mem>>)
        %dma_wait3A_65 = arith.constant 0 : i32
        %dma_wait3A_66 = arith.constant 0 : i32
        %dma_wait3A_67 = tpu.memref_slice %arg6[%dma_wait3A_65, %dma_wait3A_66] : memref<320x128xf32, #tpu.memory_space<vmem>> -> memref<320x128xf32, #tpu.memory_space<vmem>>
        %dma_wait3A_68 = arith.constant 0 : i32
        %dma_wait3A_69 = tpu.memref_slice %arg4[%mul3A_2, %dma_wait3A_68] : memref<10000x128xf32, #tpu.memory_space<hbm>> -> memref<320x128xf32, #tpu.memory_space<hbm>>
        %dma_wait3A_70 = arith.constant 0 : i32
        %dma_wait3A_71 = tpu.memref_slice %arg4[%mul3A_2, %dma_wait3A_70] : memref<10000x128xf32, #tpu.memory_space<hbm>> -> memref<320x128xf32, #tpu.memory_space<hbm>>
        %dma_wait3A_72 = arith.constant 0 : i32
        %dma_wait3A_73 = arith.constant 0 : i32
        %dma_wait3A_74 = tpu.memref_slice %arg6[%dma_wait3A_72, %dma_wait3A_73] : memref<320x128xf32, #tpu.memory_space<vmem>> -> memref<320x128xf32, #tpu.memory_space<vmem>>
        tpu.wait_dma2 semaphore(%run_scoped3A : memref<!tpu.dma_semaphore, #tpu.memory_space<semaphore_mem>>) src(%dma_wait3A_74 : memref<320x128xf32, #tpu.memory_space<vmem>>) dst(%dma_wait3A_71 : memref<320x128xf32, #tpu.memory_space<hbm>>)
        tpu.yield
      }) : () -> ()
    } else {
    }
    %eq3A = arith.constant 31 : i32
    %eq3A_5 = arith.cmpi eq, %add3A, %eq3A : i32
    %convert_element_type3A_6 = arith.extui %eq3A_5 : i1 to i32
    %cond3A_7 = arith.constant 0 : i32
    %cond3A_8 = arith.cmpi ne, %convert_element_type3A_6, %cond3A_7 : i32
    scf.if %cond3A_8 {
      "tpu.region"() ({
        %run_scoped3A = tpu.sem_alloc : memref<!tpu.dma_semaphore, #tpu.memory_space<semaphore_mem>>
        %dma_start3A_23 = arith.constant 0 : i32
        %dma_start3A_24 = tpu.memref_slice %arg5[%dma_start3A_23] : memref<320xi32, #tpu.memory_space<vmem>> -> memref<80xi32, #tpu.memory_space<vmem>>
        %dma_start3A_25 = tpu.memref_slice %arg3[%mul3A_2] : memref<10000xi32, #tpu.memory_space<hbm>> -> memref<80xi32, #tpu.memory_space<hbm>>
        %dma_start3A_26 = arith.constant 0 : i32
        %dma_start3A_27 = tpu.memref_slice %arg5[%dma_start3A_26] : memref<320xi32, #tpu.memory_space<vmem>> -> memref<80xi32, #tpu.memory_space<vmem>>
        %dma_start3A_28 = tpu.memref_slice %arg3[%mul3A_2] : memref<10000xi32, #tpu.memory_space<hbm>> -> memref<80xi32, #tpu.memory_space<hbm>>
        tpu.enqueue_dma source(%dma_start3A_28 : memref<80xi32, #tpu.memory_space<hbm>>) target(%dma_start3A_27 : memref<80xi32, #tpu.memory_space<vmem>>) target_semaphore(%run_scoped3A : memref<!tpu.dma_semaphore, #tpu.memory_space<semaphore_mem>>)
        %dma_wait3A_29 = arith.constant 0 : i32
        %dma_wait3A_30 = tpu.memref_slice %arg5[%dma_wait3A_29] : memref<320xi32, #tpu.memory_space<vmem>> -> memref<80xi32, #tpu.memory_space<vmem>>
        %dma_wait3A_31 = tpu.memref_slice %arg3[%mul3A_2] : memref<10000xi32, #tpu.memory_space<hbm>> -> memref<80xi32, #tpu.memory_space<hbm>>
        %dma_wait3A_32 = arith.constant 0 : i32
        %dma_wait3A_33 = tpu.memref_slice %arg5[%dma_wait3A_32] : memref<320xi32, #tpu.memory_space<vmem>> -> memref<80xi32, #tpu.memory_space<vmem>>
        %dma_wait3A_34 = tpu.memref_slice %arg3[%mul3A_2] : memref<10000xi32, #tpu.memory_space<hbm>> -> memref<80xi32, #tpu.memory_space<hbm>>
        tpu.wait_dma2 semaphore(%run_scoped3A : memref<!tpu.dma_semaphore, #tpu.memory_space<semaphore_mem>>) src(%dma_wait3A_34 : memref<80xi32, #tpu.memory_space<hbm>>) dst(%dma_wait3A_33 : memref<80xi32, #tpu.memory_space<vmem>>)
        tpu.yield
      }) : () -> ()
      %dma_start3A = arith.constant 0 : i32
      %dma_start3A_9 = arith.constant 0 : i32
      %dma_start3A_10 = tpu.memref_slice %arg6[%dma_start3A, %dma_start3A_9] : memref<320x128xf32, #tpu.memory_space<vmem>> -> memref<80x128xf32, #tpu.memory_space<vmem>>
      %dma_start3A_11 = arith.constant 0 : i32
      %dma_start3A_12 = tpu.memref_slice %arg5[%dma_start3A_11] : memref<320xi32, #tpu.memory_space<vmem>> -> memref<80xi32, #tpu.memory_space<vmem>>
      %dma_start3A_13 = arith.constant 0 : i32
      %dma_start3A_14 = arith.constant 0 : i32
      %dma_start3A_15 = tpu.memref_slice %arg2[%dma_start3A_13, %dma_start3A_14] : memref<10000x128xf32, #tpu.memory_space<hbm>> -> memref<10000x128xf32, #tpu.memory_space<hbm>>
      tpu.enqueue_indirect_dma source(%dma_start3A_15 : memref<10000x128xf32, #tpu.memory_space<hbm>>) target(%dma_start3A_10 : memref<80x128xf32, #tpu.memory_space<vmem>>) offsets(%dma_start3A_12 : memref<80xi32, #tpu.memory_space<vmem>>) semaphore(%arg7 : memref<!tpu.dma_semaphore, #tpu.memory_space<semaphore_mem>>)
      %dma_wait3A = arith.constant 0 : i32
      %dma_wait3A_16 = arith.constant 0 : i32
      %dma_wait3A_17 = tpu.memref_slice %arg6[%dma_wait3A, %dma_wait3A_16] : memref<320x128xf32, #tpu.memory_space<vmem>> -> memref<80x128xf32, #tpu.memory_space<vmem>>
      %dma_wait3A_18 = arith.constant 0 : i32
      %dma_wait3A_19 = tpu.memref_slice %arg5[%dma_wait3A_18] : memref<320xi32, #tpu.memory_space<vmem>> -> memref<80xi32, #tpu.memory_space<vmem>>
      %dma_wait3A_20 = arith.constant 0 : i32
      %dma_wait3A_21 = arith.constant 0 : i32
      %dma_wait3A_22 = tpu.memref_slice %arg2[%dma_wait3A_20, %dma_wait3A_21] : memref<10000x128xf32, #tpu.memory_space<hbm>> -> memref<10000x128xf32, #tpu.memory_space<hbm>>
      tpu.wait_indirect_dma semaphore(%arg7 : memref<!tpu.dma_semaphore, #tpu.memory_space<semaphore_mem>>) src(%dma_wait3A_22 : memref<10000x128xf32, #tpu.memory_space<hbm>>) dst(%dma_wait3A_17 : memref<80x128xf32, #tpu.memory_space<vmem>>)
      "tpu.region"() ({
        %run_scoped3A = tpu.sem_alloc : memref<!tpu.dma_semaphore, #tpu.memory_space<semaphore_mem>>
        %dma_start3A_23 = arith.constant 0 : i32
        %dma_start3A_24 = arith.constant 0 : i32
        %dma_start3A_25 = tpu.memref_slice %arg6[%dma_start3A_23, %dma_start3A_24] : memref<320x128xf32, #tpu.memory_space<vmem>> -> memref<80x128xf32, #tpu.memory_space<vmem>>
        %dma_start3A_26 = arith.constant 0 : i32
        %dma_start3A_27 = tpu.memref_slice %arg4[%mul3A_2, %dma_start3A_26] : memref<10000x128xf32, #tpu.memory_space<hbm>> -> memref<80x128xf32, #tpu.memory_space<hbm>>
        %dma_start3A_28 = arith.constant 0 : i32
        %dma_start3A_29 = tpu.memref_slice %arg4[%mul3A_2, %dma_start3A_28] : memref<10000x128xf32, #tpu.memory_space<hbm>> -> memref<80x128xf32, #tpu.memory_space<hbm>>
        %dma_start3A_30 = arith.constant 0 : i32
        %dma_start3A_31 = arith.constant 0 : i32
        %dma_start3A_32 = tpu.memref_slice %arg6[%dma_start3A_30, %dma_start3A_31] : memref<320x128xf32, #tpu.memory_space<vmem>> -> memref<80x128xf32, #tpu.memory_space<vmem>>
        tpu.enqueue_dma source(%dma_start3A_32 : memref<80x128xf32, #tpu.memory_space<vmem>>) target(%dma_start3A_29 : memref<80x128xf32, #tpu.memory_space<hbm>>) target_semaphore(%run_scoped3A : memref<!tpu.dma_semaphore, #tpu.memory_space<semaphore_mem>>)
        %dma_wait3A_33 = arith.constant 0 : i32
        %dma_wait3A_34 = arith.constant 0 : i32
        %dma_wait3A_35 = tpu.memref_slice %arg6[%dma_wait3A_33, %dma_wait3A_34] : memref<320x128xf32, #tpu.memory_space<vmem>> -> memref<80x128xf32, #tpu.memory_space<vmem>>
        %dma_wait3A_36 = arith.constant 0 : i32
        %dma_wait3A_37 = tpu.memref_slice %arg4[%mul3A_2, %dma_wait3A_36] : memref<10000x128xf32, #tpu.memory_space<hbm>> -> memref<80x128xf32, #tpu.memory_space<hbm>>
        %dma_wait3A_38 = arith.constant 0 : i32
        %dma_wait3A_39 = tpu.memref_slice %arg4[%mul3A_2, %dma_wait3A_38] : memref<10000x128xf32, #tpu.memory_space<hbm>> -> memref<80x128xf32, #tpu.memory_space<hbm>>
        %dma_wait3A_40 = arith.constant 0 : i32
        %dma_wait3A_41 = arith.constant 0 : i32
        %dma_wait3A_42 = tpu.memref_slice %arg6[%dma_wait3A_40, %dma_wait3A_41] : memref<320x128xf32, #tpu.memory_space<vmem>> -> memref<80x128xf32, #tpu.memory_space<vmem>>
        tpu.wait_dma2 semaphore(%run_scoped3A : memref<!tpu.dma_semaphore, #tpu.memory_space<semaphore_mem>>) src(%dma_wait3A_42 : memref<80x128xf32, #tpu.memory_space<vmem>>) dst(%dma_wait3A_39 : memref<80x128xf32, #tpu.memory_space<hbm>>)
        tpu.yield
      }) : () -> ()
    } else {
    }
    return
  }
}

</mosaic_0001>

<sc_bundles>
// kernel: _sc_gather.3.cloned.1.call-start
scs
__scs_entry_jumppad:
0x0: {  	(pc) =	sbr.rel $0x88, $3  }
0x1: {  	(tag) =	ssettag $0x0;
	lr =	simm.s32 $0x1  }
0x2: {  	[smem:$0x3F9F] =	sst lr;
	_ =	strace $0xD0000000  }
0x3: {  	_ = 	snop  }
0x4: {  	_ = 	snop  }
0x5: {  	_ = 	snop  }
0x6: {  	_ = 	snop  }
0x7: {  	_ = 	snop  }
__scs_overlays_trampoline_lowered:
0x8: {  	[smem:$0x3FAE] =	sst s0  }
0x9: {  	[smem:$0x3FAF] =	sst s1  }
0xa: {  	[smem:$0x3FB0] =	sst s2  }
0xb: {  	[smem:$0x3FB1] =	sst s3  }
0xc: {  	[smem:$0x3FB2] =	sst s4  }
0xd: {  	[smem:$0x3FB3] =	sst s5  }
0xe: {  	[smem:$0x3FB4] =	sst s6  }
0xf: {  	[smem:$0x3FB5] =	sst s7  }
0x10: {  	[smem:$0x3FB6] =	sst s8  }
0x11: {  	[smem:$0x3FB7] =	sst s9;
	s0 =	simm.s32 @!p0 $0x0  }
0x12: {  	s1 =	sld [smem:$0x3F9D];
	s0 =	simm.s32 @p0 $0x1  }
0x13: {  	[smem:$0x3FB8] =	sst s0;
	s0 =	simm.s32 @!p1 $0x0  }
0x14: {  	s2 =	sld [smem:$0x3F9C];
	s0 =	simm.s32 @p1 $0x1  }
0x15: {  	[smem:$0x3FB9] =	sst s0;
	s0 =	simm.s32 @!p2 $0x0  }
0x16: {  	s3 =	sld [smem:$0x3FDB];
	s0 =	simm.s32 @p2 $0x1  }
0x17: {  	s4 =	simm.s32 $0x1BF5;
	[smem:$0x3FBB] =	sst s0  }
0x18: {  	s0 =	sld [smem:$0x3F9E];
	_ =	swait.ge [sflag:s4], $0x0  }
0x19: {  	s7 =	sld [smem:$0x3F9F]  }
0x1a: {  	s8 =	sadd.s32 $0xFFFFE003, lr  }
0x1b: {  	s9 =	sadd.s32 $0xFFFFFEF7, lr;
	s5 =	simm.s32 $0xFFFFFFFF;
	p2 =	slt.u32 s8, $0xFFFFF086  }
0x1c: {  	p1 =	slt.u32 s9, $0xF7A;
	s5 =	simm.s32 @!p2 $0x0  }
0x1d: {  	s5 =	simm.s32 @p1 $0x1;
	p0 =	seq.s32 s7, s2  }
0x1e: {  	s7 =	smul.u32 @!p0 $0xF7A, s2;
	p2 =	seq.s32 @!p0 s5, $0x0  }
0x1f: {  	s9 =	smul.u32 $0xF7A, s1;
	s8 =	simm.s32 @!p0 $0x1BF5;
	p2 =	por !p2, p0  }
0x20: {  	[sflag:s8] =	ssyncset.s32 @!p0 $0xFFFFF086;
	s6 =	sadd.s32 @!p0 s3, s7;
	s7 =	simm.s32 @!p0 $0x108  }
0x21: {  	s3 =	sadd.s32 s3, s9;
	s6 =	sadd.s32 @!p0 $0x88, s6;
	s7 =	simm.s32 @p2 $0x1082  }
0x22: {  	[simem:s7], [sflag:s8] =	dma.local @!p0 [hbm:s6], $0xF7A  }
0x23: {  	s9 =	sor.u32 $0xD0000000, s2;
	s6 =	simm.s32 $0x108;
	_ =	swait.ge @!p0 [sflag:s8], $0x0  }
0x24: {  	s3 =	sadd.s32 $0x88, s3;
	s6 =	simm.s32 @!p1 $0x1082;
	[sflag:s4] =	ssyncset.s32 $0xFFFFF086  }
0x25: {  	[simem:s6], [sflag:s4] =	dma.local [hbm:s3], $0xF7A  }
0x26: {  	[smem:$0x3F9F] =	sst s1;
	(tag) =	ssettag s2;
	_ =	strace s9  }
0x27: {  	s1 =	sld [smem:$0x3FAF]  }
0x28: {  	s2 =	sld [smem:$0x3FB0]  }
0x29: {  	s4 =	sld [smem:$0x3FB2]  }
0x2a: {  	p0 =	seq.s32 s5, $0x0;
	s5 =	sld [smem:$0x3FB3]  }
0x2b: {  	s6 =	sld [smem:$0x3FB4]  }
0x2c: {  	s7 =	sld [smem:$0x3FB5]  }
0x2d: {  	s3 =	simm.s32 $0x108;
	s8 =	sld [smem:$0x3FB6]  }
0x2e: {  	s3 =	simm.s32 @!p0 $0x1082;
	s9 =	sld [smem:$0x3FB7]  }
0x2f: {  	lr =	sadd.s32 s0, s3;
	s0 =	sld [smem:$0x3FAE]  }
0x30: {  	s3 =	sld [smem:$0x3FB1]  }
0x31: {  	[smem:$0x3FBA] =	sst s10  }
0x32: {  	s10 =	sld [smem:$0x3FB8];
	_ =	sdelay $0x3  }
0x33: {  	p0 =	seq.s32 s10, $0x1;
	s10 =	sld [smem:$0x3FBA];
	_ =	sdelay $0x3  }
0x34: {  	[smem:$0x3FBA] =	sst s10  }
0x35: {  	s10 =	sld [smem:$0x3FB9];
	_ =	sdelay $0x3  }
0x36: {  	p1 =	seq.s32 s10, $0x1;
	s10 =	sld [smem:$0x3FBA];
	_ =	sdelay $0x3  }
0x37: {  	[smem:$0x3FBA] =	sst s10  }
0x38: {  	s10 =	sld [smem:$0x3FBB]  }
0x39: {  	_ = 	snop;
	(pc) =	sbr.ind lr, $3  }
0x3a: {  	_ = 	snop  }
0x3b: {  	_ = 	snop  }
0x3c: {  	p2 =	seq.s32 s10, $0x1;
	s10 =	sld [smem:$0x3FBA]  }
0x3d: {  	_ =	shalt  }
0x3e: {  	_ =	shalt  }
0x3f: {  	_ =	shalt  }
0x40: {  	_ =	shalt  }
0x41: {  	_ =	shalt  }
0x42: {  	_ =	shalt  }
0x43: {  	_ =	shalt  }
0x44: {  	_ =	shalt  }
0x45: {  	_ =	shalt  }
0x46: {  	_ =	shalt  }
0x47: {  	_ =	shalt  }
0x48: {  	_ =	shalt  }
0x49: {  	_ =	shalt  }
0x4a: {  	_ =	shalt  }
0x4b: {  	_ =	shalt  }
0x4c: {  	_ =	shalt  }
0x4d: {  	_ =	shalt  }
0x4e: {  	_ =	shalt  }
0x4f: {  	_ =	shalt  }
0x50: {  	_ =	shalt  }
0x51: {  	_ =	shalt  }
0x52: {  	_ =	shalt  }
0x53: {  	_ =	shalt  }
0x54: {  	_ =	shalt  }
0x55: {  	_ =	shalt  }
0x56: {  	_ =	shalt  }
0x57: {  	_ =	shalt  }
0x58: {  	_ =	shalt  }
0x59: {  	_ =	shalt  }
0x5a: {  	_ =	shalt  }
0x5b: {  	_ =	shalt  }
0x5c: {  	_ =	shalt  }
0x5d: {  	_ =	shalt  }
0x5e: {  	_ =	shalt  }
0x5f: {  	_ =	shalt  }
0x60: {  	_ =	shalt  }
0x61: {  	_ =	shalt  }
0x62: {  	_ =	shalt  }
0x63: {  	_ =	shalt  }
0x64: {  	_ =	shalt  }
0x65: {  	_ =	shalt  }
0x66: {  	_ =	shalt  }
0x67: {  	_ =	shalt  }
0x68: {  	_ =	shalt  }
0x69: {  	_ =	shalt  }
0x6a: {  	_ =	shalt  }
0x6b: {  	_ =	shalt  }
0x6c: {  	_ =	shalt  }
0x6d: {  	_ =	shalt  }
0x6e: {  	_ =	shalt  }
0x6f: {  	_ =	shalt  }
0x70: {  	_ =	shalt  }
0x71: {  	_ =	shalt  }
0x72: {  	_ =	shalt  }
0x73: {  	_ =	shalt  }
0x74: {  	_ =	shalt  }
0x75: {  	_ =	shalt  }
0x76: {  	_ =	shalt  }
0x77: {  	_ =	shalt  }
0x78: {  	_ =	shalt  }
0x79: {  	_ =	shalt  }
0x7a: {  	_ =	shalt  }
0x7b: {  	_ =	shalt  }
0x7c: {  	_ =	shalt  }
0x7d: {  	_ =	shalt  }
0x7e: {  	_ =	shalt  }
0x7f: {  	_ =	shalt  }
0x80: {  	_ =	shalt  }
0x81: {  	_ =	shalt  }
0x82: {  	_ =	shalt  }
0x83: {  	_ =	shalt  }
0x84: {  	_ =	shalt  }
0x85: {  	_ =	shalt  }
0x86: {  	_ =	shalt  }
0x87: {  	_ =	shalt  }
.Lfunc_end0:
.L_simem_size_0:
called_computation_lowered:
.L_overlay_start_0:
0x88: {  	s2 =	sld [smem:$0x3FD9]  }
0x89: {  	s3 =	sld [smem:$0x3FFE];
	_ =	sdelay $0x1  }
0x8a: {  	s1 =	srdreg.scid  }
0x8b: {  	s0 =	sand.u32 $0x1, s1  }
0x8c: {  	s18 =	sshll.u32 s0, $0xA;
	s2 =	sadd.s32 s3, s2  }
0x8d: {  	s2 =	sadd.s32 s2, s18  }
0x8e: {  	[smem:$0x3FC6] =	sst s2  }
0x8f: {  	_ = 	snop  }
0x90: {  	s2 =	sld [smem:$0x3FC9]  }
0x91: {  	s19 =	sld [smem:$0x3FC8]  }
0x92: {  	s4 =	sld [smem:$0x3FD0];
	(tm) =	ssettm $0x1  }
0x93: {  	s5 =	sld [smem:$0x3FFB];
	_ =	sdelay $0x3  }
0x94: {  	_ =	strace s5  }
0x95: {  	s5 =	sld [smem:$0x3FFC];
	_ =	sdelay $0x3  }
0x96: {  	_ =	strace s5  }
0x97: {  	s5 =	sld [smem:$0x3FFD];
	_ =	sdelay $0x3  }
0x98: {  	_ =	strace s5  }
0x99: {  	_ =	strace $0x8FFFFFFF  }
0x9a: {  	s20 =	sld [smem:$0x3FDB];
	_ =	sdelay $0x1  }
0x9b: {  	s6 =	simm.s32 $_scs_section_size  }
0x9c: {  	s7 =	simm.s32 $_size__tile_overlayer_lowered;
	s8 =	simm.s32 $_tile_overlayer_lowered  }
0x9d: {  	s23 =	simm.s32 $0x1BFF;
	s22 =	sshll.u32 s8, $0x1;
	s5 =	sadd.s32 s6, s20  }
0x9e: {  	s9 =	simm.s32 $0x0;
	s21 =	sshll.u32 s7, $0x1;
	s7 =	sadd.s32 s22, s5  }
0x9f: {  	[timem:s9], [sflag:s23] =	dma.local [hbm:s7], s21  }
0xa0: {  	_ =	swait.ge [sflag:s23], s21  }
0xa1: {  	s6 =	ssub.s32 $0x0, s21;
	[sflag:s23] =	ssyncset.done $0x0  }
0xa2: {  	[sflag:s23] =	ssyncadd.s32 s6;
	_ =	sdelay $0x1  }
0xa3: {  	s24 =	simm.s32 $0x1B8B  }
0xa4: {  	_ =	swait.ge [sflag:s24], $0x1  }
0xa5: {  	[sflag:s24] =	ssyncset.done $0x0  }
0xa6: {  	s25 =	simm.s32 $0x1B8E;
	[sflag:s24] =	ssyncadd.s32 $0xFFFFFFFF  }
0xa7: {  	s26 =	simm.s32 $execute0_lowered;
	[smem:$0x3FD2] =	sst s25  }
0xa8: {  	s6 =	sshll.u32 s26, $0x1;
	_ =	strace $0x80000046;
	[dreg:$0x1] =	wrdreg $0xFFFFFFFF  }
0xa9: {  	s28 =	simm.s32 $_size_execute0_lowered;
	s5 =	sadd.s32 s5, s6;
	[dreg:$0x0] =	wrdreg $0x0  }
0xaa: {  	s6 =	sshll.u32 s28, $0x1;
	[dreg:$0x2] =	wrdreg s5  }
0xab: {  	[dreg:$0x3] =	wrdreg s6  }
0xac: {  	[dreg:$0x4] =	wrdreg $0xC0  }
0xad: {  	_ =	task [dreg:s9], $0x5FFFF  }
0xae: {  	[dreg:$0x1] =	wrdreg $0xFFFFFFFF  }
0xaf: {  	[dreg:$0x0] =	wrdreg $0x60  }
0xb0: {  	[dreg:$0x2] =	wrdreg s2  }
0xb1: {  	[dreg:$0x3] =	wrdreg s19  }
0xb2: {  	[dreg:$0x4] =	wrdreg s4  }
0xb3: {  	[dreg:$0x5] =	wrdreg $0x9  }
0xb4: {  	_ =	task.clear_ibuf [dreg:s9], $0x6FFFF;
	_ =	strace $0x90000046  }
0xb5: {  	s29 =	simm.s32 $0x9;
	_ =	strace $0x80000048  }
0xb6: {  	_ =	swait.ge [sflag:s29], $0x1  }
0xb7: {  	[sflag:s29] =	ssyncadd.s32 $0xFFFFFFFF  }
0xb8: {  	_ =	strace $0x90000048  }
0xb9: {  	_ =	sfence  }
0xba: {  	s30 =	sld [smem:$0x0];
	_ =	sdelay $0x2  }
0xbb: {  	s31 =	sshll.u32 s1, $0xD;
	s1 =	sshrl.u32 s1, $0x2  }
0xbc: {  	s3 =	sand.u32 $0x4000, s31;
	s1 =	sadd.s32 s1, s30  }
0xbd: {  	s0 =	sor.u32 s3, s0;
	s1 =	sshll.u32 s1, $0x11  }
0xbe: {  	s0 =	sor.u32 s1, s0  }
0xbf: {  	s0 =	sadd.s32 $0x8F2B, s0  }
0xc0: {  	[sflag:s0] =	ssyncadd.remote.s32 $0x1  }
0xc1: {  	_ =	sfence.sel $0xFFFF  }
0xc2: {  	[dreg:$0x0] =	wrdreg $0xFFFFFFFF;
	(pc) =	sbr.abs _section_cstart, $3  }
0xc3: {  	[dreg:$0x1] =	wrdreg $0xFFFFFFFF  }
0xc4: {  	_ =	task.clear_ibuf [dreg:s9], $0x2FFFF;
	_ =	strace $0x9FFFFFFF  }
0xc5: {  	(tm) =	ssettm $0x7FFFFFFF  }
tec
execute0_lowered:
.L_overlay_start_1:
0x0: {  	(tag) =	ssettag $0x1  }
0x1: {  	s1 =	srdreg.scid  }
0x2: {  	s3 =	sand.u32 $0x1, s1  }
0x3: {  	s4 =	ssub.s32 $0x2, s3  }
0x4: {  	s8 =	sshrl.u32 s4, $0x1  }
0x5: {  	s4 =	ssub.s32 s4, s8  }
0x6: {  	s8 =	smax.u32 s4, $0x1  }
0x7: {  	s2 =	rddreg [dreg:$0x0];
	s0 =	stileid.u32;
	s21 =	sadd.s32 $0xFFFFFFFF, s8  }
0x8: {  	s5 =	rddreg [dreg:$0x1];
	s6 =	sshll.u32 s0, $0x1;
	p2 =	sne.s32 s21, $0x0  }
.Ltmp0:
0x9: {  	s7 =	rddreg [dreg:$0x2];
	s9 =	sor.u32 s3, s6;
	(pc) =	sbr.rel @!p2 .LBB2_3-.Ltmp0, $4  }
0xa: {  	s30 =	simm.s32 $0x0;
	s1 =	rddreg [dreg:$0x3];
	s6 =	smul.u32 $0x28, s9  }
0xb: {  	p1 =	por $0x0, $0x0;
	[smem:$0x7FF] =	sst s30;
	s31 =	smul.u32 $0x1400, s9  }
0xc: {  	_ =	strace $0x80000047;
	p0 =	seq.s32 s9, $0x1F;
	s4 =	sadd.s32 s5, s6  }
0xd: {  	s3 =	sadd.s32 s7, s31;
	s6 =	sadd.s32 $0x4D8, s5;
	s5 =	sadd.s32 $0x26C00, s7  }
0xe: {  	s7 =	simm.s32 @p0 $0x0;
	s8 =	simm.s32 @p0 $0x2  }
0xf: {  	[tilespmem:s7], [sflag:$0x2] =	stream.linear.gather @p0 [hbm4b:s6+s7], $0x50, $0x38;
	[tilespmem:$0xA180] =	vst v63  }
0x10: {  	_ =	swait.ge @p0 [sflag:s8], $0x50  }
0x11: {  	s9 =	simm.s32 @p0 $0x1;
	[sflag:s8] =	ssyncset.done @p0 $0x0  }
0x12: {  	s10 =	simm.s32 @p0 $0x50;
	s11 =	simm.s32 @p0 $0x180;
	[sflag:s8] =	ssyncadd.s32 @p0 $0xFFFFFFB0  }
0x13: {  	[tilespmem:s11], [sflag:$0x1] =	stream.indirect.gather @p0 [hbm4b:s2+s10], $0x80, s7, s10, $0xb8;
	[tilespmem:$0xA180] =	vst v63  }
0x14: {  	_ =	swait.ge @p0 [sflag:s9], $0x2800  }
0x15: {  	[sflag:s9] =	ssyncset.done @p0 $0x0  }
0x16: {  	[sflag:s9] =	ssyncadd.s32 @p0 $0xFFFFD800  }
0x17: {  	[hbm4b:s5+s7] =	stream.linear.scatter @p0 [tilespmem:s11], [sflag:$0x2], $0x2800, $0x38;
	[tilespmem:$0xA180] =	vst v63  }
0x18: {  	_ =	swait.ge @p0 [sflag:s8], $0x2800  }
0x19: {  	[sflag:s8] =	ssyncset.done @p0 $0x0  }
0x1a: {  	s13 =	simm.s32 @!p0 $0x0;
	s12 =	simm.s32 @!p0 $0x2;
	[sflag:s8] =	ssyncadd.s32 @p0 $0xFFFFD800  }
0x1b: {  	[tilespmem:s13], [sflag:$0x2] =	stream.linear.gather @!p0 [hbm4b:s4+s13], $0x140, $0x38;
	[tilespmem:$0xA180] =	vst v63  }
0x1c: {  	_ =	swait.ge @!p0 [sflag:s12], $0x140  }
0x1d: {  	[sflag:s12] =	ssyncset.done @!p0 $0x0  }
0x1e: {  	s14 =	simm.s32 @!p0 $0x80;
	s15 =	simm.s32 @!p0 $0x180;
	[sflag:s12] =	ssyncadd.s32 @!p0 $0xFFFFFEC0  }
0x1f: {  	[tilespmem:s15], [sflag:$0x1] =	stream.indirect.gather @!p0 [hbm4b:s2+s14], $0x80, s13, s14, $0xb8;
	[tilespmem:$0xA180] =	vst v63  }
0x20: {  	s16 =	simm.s32 @!p0 $0x4180;
	s17 =	simm.s32 @!p0 $0x1  }
0x21: {  	[tilespmem:s16], [sflag:$0x1] =	stream.indirect.gather @!p0 [hbm4b:s2+s14], $0x80, s14, s14, $0xb8;
	[tilespmem:$0xA180] =	vst v63  }
0x22: {  	s18 =	simm.s32 @!p0 $0x40;
	s19 =	simm.s32 @!p0 $0x100;
	s20 =	simm.s32 @!p0 $0x8180  }
0x23: {  	[tilespmem:s20], [sflag:$0x1] =	stream.indirect.gather @!p0 [hbm4b:s2+s18], $0x80, s19, s18, $0xb8;
	[tilespmem:$0xA180] =	vst v63  }
0x24: {  	_ =	swait.ge @!p0 [sflag:s17], $0x4000  }
0x25: {  	[sflag:s17] =	ssyncset.done @!p0 $0x0  }
0x26: {  	[sflag:s17] =	ssyncadd.s32 @!p0 $0xFFFFC000  }
0x27: {  	_ =	swait.ge @!p0 [sflag:s17], $0x4000  }
0x28: {  	[sflag:s17] =	ssyncset.done @!p0 $0x0  }
0x29: {  	s21 =	sadd.s32 $0xFFFFFFFF, s21;
	[sflag:s17] =	ssyncadd.s32 @!p0 $0xFFFFC000  }
0x2a: {  	p2 =	sne.s32 s21, $0x0;
	_ =	swait.ge @!p0 [sflag:s17], $0x2000  }
.Ltmp1:
0x2b: {  	[sflag:s17] =	ssyncset.done @!p0 $0x0;
	(pc) =	sbr.rel @!p2 .LBB2_3-.Ltmp1, $4  }
0x2c: {  	[sflag:s17] =	ssyncadd.s32 @!p0 $0xFFFFE000  }
0x2d: {  	[hbm4b:s3+s13] =	stream.linear.scatter @!p0 [tilespmem:s15], [sflag:$0x2], $0xA000, $0x38;
	[tilespmem:$0xA180] =	vst v63  }
0x2e: {  	_ =	swait.ge @!p0 [sflag:s12], $0xA000  }
0x2f: {  	p1 =	por $0x1, $0x1;
	[sflag:s12] =	ssyncset.done @!p0 $0x0  }
.LBB2_2:
0x30: {  	[sflag:s12] =	ssyncadd.s32 @!p0 $0xFFFF6000  }
0x31: {  	[tilespmem:s7], [sflag:$0x2] =	stream.linear.gather @p0 [hbm4b:s6+s7], $0x50, $0x38;
	[tilespmem:$0xA180] =	vst v63  }
0x32: {  	s21 =	sadd.s32 $0xFFFFFFFF, s21;
	_ =	swait.ge @p0 [sflag:s8], $0x50  }
0x33: {  	p2 =	sne.s32 s21, $0x0;
	[sflag:s8] =	ssyncset.done @p0 $0x0  }
0x34: {  	[sflag:s8] =	ssyncadd.s32 @p0 $0xFFFFFFB0  }
0x35: {  	[tilespmem:s11], [sflag:$0x1] =	stream.indirect.gather @p0 [hbm4b:s2+s10], $0x80, s7, s10, $0xb8;
	[tilespmem:$0xA180] =	vst v63  }
0x36: {  	_ =	swait.ge @p0 [sflag:s9], $0x2800  }
0x37: {  	[sflag:s9] =	ssyncset.done @p0 $0x0  }
0x38: {  	[sflag:s9] =	ssyncadd.s32 @p0 $0xFFFFD800  }
0x39: {  	[hbm4b:s5+s7] =	stream.linear.scatter @p0 [tilespmem:s11], [sflag:$0x2], $0x2800, $0x38;
	[tilespmem:$0xA180] =	vst v63  }
0x3a: {  	_ =	swait.ge @p0 [sflag:s8], $0x2800  }
0x3b: {  	[sflag:s8] =	ssyncset.done @p0 $0x0  }
0x3c: {  	[sflag:s8] =	ssyncadd.s32 @p0 $0xFFFFD800  }
0x3d: {  	[tilespmem:s13], [sflag:$0x2] =	stream.linear.gather @!p0 [hbm4b:s4+s13], $0x140, $0x38;
	[tilespmem:$0xA180] =	vst v63  }
0x3e: {  	_ =	swait.ge @!p0 [sflag:s12], $0x140  }
0x3f: {  	[sflag:s12] =	ssyncset.done @!p0 $0x0  }
0x40: {  	[sflag:s12] =	ssyncadd.s32 @!p0 $0xFFFFFEC0  }
0x41: {  	[tilespmem:s15], [sflag:$0x1] =	stream.indirect.gather @!p0 [hbm4b:s2+s14], $0x80, s13, s14, $0xb8;
	[tilespmem:$0xA180] =	vst v63  }
0x42: {  	_ = 	snop  }
0x43: {  	[tilespmem:s16], [sflag:$0x1] =	stream.indirect.gather @!p0 [hbm4b:s2+s14], $0x80, s14, s14, $0xb8;
	[tilespmem:$0xA180] =	vst v63  }
0x44: {  	_ = 	snop  }
0x45: {  	[tilespmem:s20], [sflag:$0x1] =	stream.indirect.gather @!p0 [hbm4b:s2+s18], $0x80, s19, s18, $0xb8;
	[tilespmem:$0xA180] =	vst v63  }
0x46: {  	_ =	swait.ge @!p0 [sflag:s17], $0x4000  }
0x47: {  	[sflag:s17] =	ssyncset.done @!p0 $0x0  }
0x48: {  	[sflag:s17] =	ssyncadd.s32 @!p0 $0xFFFFC000  }
0x49: {  	_ =	swait.ge @!p0 [sflag:s17], $0x4000  }
0x4a: {  	[sflag:s17] =	ssyncset.done @!p0 $0x0  }
0x4b: {  	[sflag:s17] =	ssyncadd.s32 @!p0 $0xFFFFC000  }
0x4c: {  	_ =	swait.ge @!p0 [sflag:s17], $0x2000  }
.Ltmp2:
0x4d: {  	[sflag:s17] =	ssyncset.done @!p0 $0x0;
	(pc) =	sbr.rel @p2 .LBB2_2-.Ltmp2, $4  }
0x4e: {  	[sflag:s17] =	ssyncadd.s32 @!p0 $0xFFFFE000  }
0x4f: {  	[hbm4b:s3+s13] =	stream.linear.scatter @!p0 [tilespmem:s15], [sflag:$0x2], $0xA000, $0x38;
	[tilespmem:$0xA180] =	vst v63  }
0x50: {  	_ =	swait.ge @!p0 [sflag:s12], $0xA000  }
0x51: {  	[sflag:s12] =	ssyncset.done @!p0 $0x0  }
.LBB2_3:
0x52: {  	p1 =	por p0, !p1  }
0x53: {  	s7 =	simm.s32 @p0 $0x0;
	s8 =	simm.s32 @p0 $0x2;
	[sflag:s12] =	ssyncadd.s32 @!p1 $0xFFFF6000  }
0x54: {  	[tilespmem:s7], [sflag:$0x2] =	stream.linear.gather @p0 [hbm4b:s6+s7], $0x50, $0x38;
	[tilespmem:$0xA180] =	vst v63  }
0x55: {  	_ =	swait.ge @p0 [sflag:s8], $0x50  }
0x56: {  	s9 =	simm.s32 @p0 $0x50;
	[sflag:s8] =	ssyncset.done @p0 $0x0  }
0x57: {  	s10 =	simm.s32 @p0 $0x180;
	s6 =	simm.s32 @p0 $0x1;
	[sflag:s8] =	ssyncadd.s32 @p0 $0xFFFFFFB0  }
0x58: {  	[tilespmem:s10], [sflag:$0x1] =	stream.indirect.gather @p0 [hbm4b:s2+s9], $0x80, s7, s9, $0xb8;
	[tilespmem:$0xA180] =	vst v63  }
0x59: {  	_ =	swait.ge @p0 [sflag:s6], $0x2800  }
0x5a: {  	[sflag:s6] =	ssyncset.done @p0 $0x0  }
0x5b: {  	[sflag:s6] =	ssyncadd.s32 @p0 $0xFFFFD800  }
0x5c: {  	[hbm4b:s5+s7] =	stream.linear.scatter @p0 [tilespmem:s10], [sflag:$0x2], $0x2800, $0x38;
	[tilespmem:$0xA180] =	vst v63  }
0x5d: {  	_ =	swait.ge @p0 [sflag:s8], $0x2800  }
0x5e: {  	[sflag:s8] =	ssyncset.done @p0 $0x0  }
0x5f: {  	s6 =	simm.s32 @!p0 $0x2;
	s5 =	simm.s32 @!p0 $0x0;
	[sflag:s8] =	ssyncadd.s32 @p0 $0xFFFFD800  }
0x60: {  	[tilespmem:s5], [sflag:$0x2] =	stream.linear.gather @!p0 [hbm4b:s4+s5], $0x140, $0x38;
	[tilespmem:$0xA180] =	vst v63  }
0x61: {  	_ =	swait.ge @!p0 [sflag:s6], $0x140  }
0x62: {  	[sflag:s6] =	ssyncset.done @!p0 $0x0  }
0x63: {  	s7 =	simm.s32 @!p0 $0x180;
	s4 =	simm.s32 @!p0 $0x80;
	[sflag:s6] =	ssyncadd.s32 @!p0 $0xFFFFFEC0  }
0x64: {  	[tilespmem:s7], [sflag:$0x1] =	stream.indirect.gather @!p0 [hbm4b:s2+s4], $0x80, s5, s4, $0xb8;
	[tilespmem:$0xA180] =	vst v63  }
0x65: {  	s9 =	simm.s32 @!p0 $0x1;
	s8 =	simm.s32 @!p0 $0x4180  }
0x66: {  	[tilespmem:s8], [sflag:$0x1] =	stream.indirect.gather @!p0 [hbm4b:s2+s4], $0x80, s4, s4, $0xb8;
	[tilespmem:$0xA180] =	vst v63  }
0x67: {  	s10 =	simm.s32 @!p0 $0x8180;
	s4 =	simm.s32 @!p0 $0x40;
	s8 =	simm.s32 @!p0 $0x100  }
0x68: {  	[tilespmem:s10], [sflag:$0x1] =	stream.indirect.gather @!p0 [hbm4b:s2+s4], $0x80, s8, s4, $0xb8;
	[tilespmem:$0xA180] =	vst v63  }
0x69: {  	_ =	swait.ge @!p0 [sflag:s9], $0x4000  }
0x6a: {  	[sflag:s9] =	ssyncset.done @!p0 $0x0  }
0x6b: {  	[sflag:s9] =	ssyncadd.s32 @!p0 $0xFFFFC000  }
0x6c: {  	_ =	swait.ge @!p0 [sflag:s9], $0x4000  }
0x6d: {  	[sflag:s9] =	ssyncset.done @!p0 $0x0  }
0x6e: {  	[sflag:s9] =	ssyncadd.s32 @!p0 $0xFFFFC000  }
0x6f: {  	_ =	swait.ge @!p0 [sflag:s9], $0x2000  }
0x70: {  	[sflag:s9] =	ssyncset.done @!p0 $0x0  }
0x71: {  	[sflag:s9] =	ssyncadd.s32 @!p0 $0xFFFFE000  }
0x72: {  	[hbm4b:s3+s5] =	stream.linear.scatter @!p0 [tilespmem:s7], [sflag:$0x2], $0xA000, $0x38;
	[tilespmem:$0xA180] =	vst v63  }
0x73: {  	_ =	swait.ge @!p0 [sflag:s6], $0xA000  }
0x74: {  	[sflag:s6] =	ssyncset.done @!p0 $0x0  }
0x75: {  	[sflag:s6] =	ssyncadd.s32 @!p0 $0xFFFF6000  }
0x76: {  	_ =	sfence.sel $0x180000  }
0x77: {  	[bflag:$0x0] =	sbarrier.arrive $0xFFFF  }
0x78: {  	p0 =	sne.s32 s0, $0x0;
	_ =	strace $0x90000047  }
0x79: {  	s0 =	sadd.s32 @!p0 $0x100000, s1;
	[bflag:$0x2] =	sbarrier.arrive $0xFFFF  }
0x7a: {  	[sflag:s0] =	ssyncadd.tile.s32 @!p0 $0x1;
	_ =	shalt  }
.Lfunc_end2:
_tile_overlayer_lowered:
.L_overlay_start_2:
0x7b: {  	(tag) =	ssettag $0x2  }
0x7c: {  	s0 =	rddreg [dreg:$0x0];
	s2 =	stileid.u32  }
0x7d: {  	s1 =	rddreg [dreg:$0x1];
	p0 =	sne.s32 s2, $0x0  }
0x7e: {  	s3 =	rddreg [dreg:$0x2];
	[bflag:$0x3] =	sbarrier.arrive $0xFFFF;
	s2 =	simm.s32 @!p0 $0x1C02  }
0x7f: {  	[timem:s3], [sflag:s2] =	dma.local @!p0 [hbm:s0], s1  }
0x80: {  	s0 =	simm.s32 @!p0 $0x2  }
0x81: {  	_ =	swait.ge @!p0 [sflag:s0], s1  }
0x82: {  	s1 =	ssub.s32 @!p0 $0x0, s1;
	[sflag:s0] =	ssyncset.done @!p0 $0x0  }
0x83: {  	[sflag:s0] =	ssyncadd.s32 @!p0 s1  }
0x84: {  	[bflag:$0x3] =	sbarrier.arrive $0xFFFF  }
0x85: {  	_ =	shalt  }

</sc_bundles>
